<compile_context>
chip_gen: v7x
topology: tpu7x:2x2x1
jax: 0.10.2.dev20260603
libtpu: 0.0.44.dev20260713+nightly
codegen_flags: <defaults>
</compile_context>

<pallas_src>
import functools

import jax
import jax.numpy as jnp
from jax import lax
from jax.experimental import pallas as pl
from jax.experimental.pallas import tpu as pltpu
from jax.experimental.pallas import tpu_sc as plsc

_BLK = 2048
_CHUNKS = 1


def _dist_argmax_body(x_ref, e_ref, dist_ref, ind_ref):
    xb = x_ref[...]
    eb = e_ref[...]
    x2 = jnp.sum(xb * xb, axis=1, keepdims=True)
    e2 = jnp.sum(eb * eb, axis=1)
    xe2 = lax.dot_general(xb + xb, eb, (((1,), (1,)), ((), ())),
                          preferred_element_type=jnp.float32)
    dist = (xe2 - x2) - e2
    dist_ref[...] = dist
    k = dist.shape[1]
    m = jnp.max(dist, axis=1, keepdims=True)
    iota = lax.broadcasted_iota(jnp.int32, dist.shape, 1).astype(jnp.float32)
    ind = jnp.min(jnp.where(dist == m, iota, float(k)), axis=1)
    ind_ref[...] = ind.astype(jnp.int32).reshape(ind_ref.shape)


def _dist_argmax_chunk(x_flat, embed2d, chunk, n_chunks, bufs=None):
    bn, d = x_flat.shape
    k = embed2d.shape[0]
    steps = bn // n_chunks // _BLK
    base = chunk * steps

    in_specs = [
        pl.BlockSpec((_BLK, d), lambda i, b=base: (i + b, 0)),
        pl.BlockSpec((k, d), lambda i: (0, 0)),
    ]
    operands = [x_flat, embed2d]
    aliases = {}
    if bufs is not None:
        in_specs += [pl.BlockSpec(memory_space=pl.ANY),
                     pl.BlockSpec(memory_space=pl.ANY)]
        operands += list(bufs)
        aliases = {2: 0, 3: 1}

    def body(x_ref, e_ref, *refs):
        dist_ref, ind_ref = refs[-2], refs[-1]
        _dist_argmax_body(x_ref, e_ref, dist_ref, ind_ref)

    return pl.pallas_call(
        body,
        grid=(steps,),
        in_specs=in_specs,
        out_specs=[
            pl.BlockSpec((_BLK, k), lambda i, b=base: (i + b, 0)),
            pl.BlockSpec((_BLK // 128, 128), lambda i, b=base: (i + b, 0)),
        ],
        out_shape=[
            jax.ShapeDtypeStruct((bn, k), jnp.float32),
            jax.ShapeDtypeStruct((bn // 128, 128), jnp.int32),
        ],
        input_output_aliases=aliases,
    )(*operands)


def _sc_gather(table, idx):
    info = plsc.get_sparse_core_info()
    nc, ns = info.num_cores, info.num_subcores
    nw = nc * ns
    bn = idx.shape[0]
    k, dp = table.shape
    b_per_w = bn // nw
    nbatch = 2
    b_sub = b_per_w // nbatch
    mesh = plsc.VectorSubcoreMesh(core_axis_name="c", subcore_axis_name="s")

    @functools.partial(
        pl.kernel, mesh=mesh,
        out_type=jax.ShapeDtypeStruct((bn, dp), jnp.float32),
        scratch_types=[
            pltpu.VMEM((b_per_w,), jnp.int32),
            pltpu.VMEM((b_sub, dp), jnp.float32),
            pltpu.SemaphoreType.DMA,
        ],
        compiler_params=pltpu.CompilerParams(use_tc_tiling_on_sc=True),
    )
    def gk(table_hbm, idx_hbm, out_hbm, idx_v, rows_v, sem):
        wid = lax.axis_index("s") * nc + lax.axis_index("c")
        base = wid * b_per_w
        pltpu.sync_copy(idx_hbm.at[pl.ds(base, b_per_w)], idx_v)

        def batch(bi, _):
            pltpu.async_copy(
                table_hbm.at[idx_v.at[pl.ds(bi * b_sub, b_sub)]],
                rows_v, sem).wait()
            pltpu.sync_copy(
                rows_v, out_hbm.at[pl.ds(base + bi * b_sub, b_sub)])
            return ()

        lax.fori_loop(0, nbatch, batch, ())

    return gk(table, idx)


def kernel(x, embed):
    b, n, d = x.shape
    h, k, _ = embed.shape
    bn = b * n
    x_flat = x.reshape(bn, d).astype(jnp.float32)
    embed2d = embed.reshape(k, d)
    table_pad = jnp.pad(embed2d, ((0, 0), (0, 128 - d)))

    rows_per_chunk = bn // _CHUNKS
    bufs = None
    q_parts = []
    for c in range(_CHUNKS):
        bufs = _dist_argmax_chunk(x_flat, embed2d, c, _CHUNKS, bufs)
        ind_chunk = lax.dynamic_slice(
            bufs[1].reshape(bn), (c * rows_per_chunk,), (rows_per_chunk,))
        q_parts.append(_sc_gather(table_pad, ind_chunk))

    dist_buf, ind_buf = bufs
    q128 = jnp.concatenate(q_parts, axis=0) if _CHUNKS > 1 else q_parts[0]
    quantize = q128[:, :d]
    return (quantize.reshape(b, n, d),
            ind_buf.reshape(b, n),
            dist_buf.reshape(h, bn, k))

# --- scband reference (transcript-rebuilt; emitter-appended) ---
"""Pipeline reference for scband-euclidean-codebook-58531814310487 (READ-ONLY COPY).

The authoritative reference and input builder live on the scoring server;
editing this copy changes nothing except your own understanding.
"""

import jax, jax.numpy as jnp
import numpy as np

B, N, D = 32, 1024, 64
H, K = 1, 1024

def setup_inputs(seed: int = 0):
    key = jax.random.key(seed)
    k1, k2 = jax.random.split(key)
    x = jax.random.normal(k1, (B, N, D), dtype=jnp.float32)
    # uniform_init of the codebook: kaiming-uniform-like U(-1/K, 1/K) scaled; use uniform in [-0.03, 0.03]
    embed = jax.random.uniform(k2, (H, K, D), dtype=jnp.float32, minval=-0.03125, maxval=0.03125)
    return {"x": x, "embed": embed}

def reference(x, embed):
    # forward of EuclideanCodebook (eval path, temp=0 -> deterministic argmax, no EMA update)
    x = x.astype(jnp.float32)
    # needs_codebook_dim: x.ndim < 4 -> add codebook head dim
    xh = x[None, ...]                      # [1, B, N, D]
    h = embed.shape[0]
    flatten = xh.reshape(h, -1, xh.shape[-1])   # [h, B*N, D]  (pack_one 'h * d')
    # negative squared euclidean distance to each code
    dist = -(jnp.sum(flatten ** 2, axis=-1, keepdims=True)
             - 2.0 * jnp.einsum('hnd,hcd->hnc', flatten, embed)
             + jnp.sum(embed ** 2, axis=-1)[:, None, :])   # [h, B*N, K]
    # gumbel_sample with temperature 0 / stochastic off -> argmax
    embed_ind = jnp.argmax(dist, axis=-1)       # [h, B*N]
    # batched embedding lookup (gather)
    quantize = jnp.take_along_axis(embed, embed_ind[..., None], axis=1)  # [h, B*N, D]
    # unpack back and drop codebook head dim
    quantize = quantize.reshape(xh.shape)[0]    # [B, N, D]
    embed_ind_out = embed_ind.reshape(x.shape[:-1])  # [B, N]
    return quantize, embed_ind_out, dist

if __name__ == "__main__":
    import jax
    _d = setup_inputs()
    print(jax.jit(kernel)(*tuple(_d.values())))

</pallas_src>

<mosaic_0001>
#map = affine_map<(d0, d1) -> (0, 0)>
#map1 = affine_map<(d0, d1) -> (0)>
module attributes {stable_mosaic.version = 14 : i64} {
  func.func @gk(%arg0: i32, %arg1: i32, %arg2: memref<1024x128xf32, #tpu.memory_space<hbm>>, %arg3: memref<32768xi32, #tpu.memory_space<hbm>>, %arg4: memref<32768x128xf32, #tpu.memory_space<hbm>>, %arg5: memref<1024xi32, #tpu.memory_space<vmem>>, %arg6: memref<512x128xf32, #tpu.memory_space<vmem>>, %arg7: memref<!tpu.dma_semaphore, #tpu.memory_space<semaphore_mem>>) attributes {dimension_semantics = [#tpu.dimension_semantics<core_parallel>, #tpu.dimension_semantics<subcore_parallel>], iteration_bounds = array<i64: 2, 16>, scalar_prefetch = 0 : i64, scratch_operands = 3 : i64, tpu.core_type = #tpu.core_type<sc_vector_subcore>, window_params = [{transform_indices = #map}, {transform_indices = #map1}, {transform_indices = #map}]} {
    %mul3A = arith.constant 2 : i32
    %mul3A_0 = arith.muli %arg1, %mul3A : i32
    %add3A = arith.addi %mul3A_0, %arg0 : i32
    %mul3A_1 = arith.constant 1024 : i32
    %mul3A_2 = arith.muli %add3A, %mul3A_1 : i32
    "tpu.region"() ({
      %run_scoped3A = tpu.sem_alloc : memref<!tpu.dma_semaphore, #tpu.memory_space<semaphore_mem>>
      %dma_start3A = tpu.memref_slice %arg3[%mul3A_2] : memref<32768xi32, #tpu.memory_space<hbm>> -> memref<1024xi32, #tpu.memory_space<hbm>>
      %dma_start3A_7 = tpu.memref_slice %arg3[%mul3A_2] : memref<32768xi32, #tpu.memory_space<hbm>> -> memref<1024xi32, #tpu.memory_space<hbm>>
      tpu.enqueue_dma source(%dma_start3A_7 : memref<1024xi32, #tpu.memory_space<hbm>>) target(%arg5 : memref<1024xi32, #tpu.memory_space<vmem>>) target_semaphore(%run_scoped3A : memref<!tpu.dma_semaphore, #tpu.memory_space<semaphore_mem>>)
      %dma_wait3A = tpu.memref_slice %arg3[%mul3A_2] : memref<32768xi32, #tpu.memory_space<hbm>> -> memref<1024xi32, #tpu.memory_space<hbm>>
      %dma_wait3A_8 = tpu.memref_slice %arg3[%mul3A_2] : memref<32768xi32, #tpu.memory_space<hbm>> -> memref<1024xi32, #tpu.memory_space<hbm>>
      tpu.wait_dma2 semaphore(%run_scoped3A : memref<!tpu.dma_semaphore, #tpu.memory_space<semaphore_mem>>) src(%dma_wait3A_8 : memref<1024xi32, #tpu.memory_space<hbm>>) dst(%arg5 : memref<1024xi32, #tpu.memory_space<vmem>>)
      tpu.yield
    }) : () -> ()
    %scan3A = arith.constant 0 : i32
    %scan3A_3 = arith.constant 2 : i32
    %scan3A_4 = arith.addi %scan3A, %scan3A_3 : i32
    %scan3A_5 = arith.constant 1 : i32
    scf.for %scan3A_7 = %scan3A to %scan3A_4 step %scan3A_5  : i32 {
      %mul3A_8 = arith.constant 512 : i32
      %mul3A_9 = arith.muli %scan3A_7, %mul3A_8 : i32
      %dma_start3A = tpu.memref_slice %arg5[%mul3A_9] : memref<1024xi32, #tpu.memory_space<vmem>> -> memref<512xi32, #tpu.memory_space<vmem>>
      %dma_start3A_10 = arith.constant 0 : i32
      %dma_start3A_11 = arith.constant 0 : i32
      %dma_start3A_12 = tpu.memref_slice %arg2[%dma_start3A_10, %dma_start3A_11] : memref<1024x128xf32, #tpu.memory_space<hbm>> -> memref<1024x128xf32, #tpu.memory_space<hbm>>
      tpu.enqueue_indirect_dma source(%dma_start3A_12 : memref<1024x128xf32, #tpu.memory_space<hbm>>) target(%arg6 : memref<512x128xf32, #tpu.memory_space<vmem>>) offsets(%dma_start3A : memref<512xi32, #tpu.memory_space<vmem>>) semaphore(%arg7 : memref<!tpu.dma_semaphore, #tpu.memory_space<semaphore_mem>>)
      %dma_wait3A = tpu.memref_slice %arg5[%mul3A_9] : memref<1024xi32, #tpu.memory_space<vmem>> -> memref<512xi32, #tpu.memory_space<vmem>>
      %dma_wait3A_13 = arith.constant 0 : i32
      %dma_wait3A_14 = arith.constant 0 : i32
      %dma_wait3A_15 = tpu.memref_slice %arg2[%dma_wait3A_13, %dma_wait3A_14] : memref<1024x128xf32, #tpu.memory_space<hbm>> -> memref<1024x128xf32, #tpu.memory_space<hbm>>
      tpu.wait_indirect_dma semaphore(%arg7 : memref<!tpu.dma_semaphore, #tpu.memory_space<semaphore_mem>>) src(%dma_wait3A_15 : memref<1024x128xf32, #tpu.memory_space<hbm>>) dst(%arg6 : memref<512x128xf32, #tpu.memory_space<vmem>>)
      %mul3A_16 = arith.constant 512 : i32
      %mul3A_17 = arith.muli %scan3A_7, %mul3A_16 : i32
      %add3A_18 = arith.addi %mul3A_2, %mul3A_17 : i32
      "tpu.region"() ({
        %run_scoped3A = tpu.sem_alloc : memref<!tpu.dma_semaphore, #tpu.memory_space<semaphore_mem>>
        %dma_start3A_19 = arith.constant 0 : i32
        %dma_start3A_20 = tpu.memref_slice %arg4[%add3A_18, %dma_start3A_19] : memref<32768x128xf32, #tpu.memory_space<hbm>> -> memref<512x128xf32, #tpu.memory_space<hbm>>
        %dma_start3A_21 = arith.constant 0 : i32
        %dma_start3A_22 = tpu.memref_slice %arg4[%add3A_18, %dma_start3A_21] : memref<32768x128xf32, #tpu.memory_space<hbm>> -> memref<512x128xf32, #tpu.memory_space<hbm>>
        tpu.enqueue_dma source(%arg6 : memref<512x128xf32, #tpu.memory_space<vmem>>) target(%dma_start3A_22 : memref<512x128xf32, #tpu.memory_space<hbm>>) target_semaphore(%run_scoped3A : memref<!tpu.dma_semaphore, #tpu.memory_space<semaphore_mem>>)
        %dma_wait3A_23 = arith.constant 0 : i32
        %dma_wait3A_24 = tpu.memref_slice %arg4[%add3A_18, %dma_wait3A_23] : memref<32768x128xf32, #tpu.memory_space<hbm>> -> memref<512x128xf32, #tpu.memory_space<hbm>>
        %dma_wait3A_25 = arith.constant 0 : i32
        %dma_wait3A_26 = tpu.memref_slice %arg4[%add3A_18, %dma_wait3A_25] : memref<32768x128xf32, #tpu.memory_space<hbm>> -> memref<512x128xf32, #tpu.memory_space<hbm>>
        tpu.wait_dma2 semaphore(%run_scoped3A : memref<!tpu.dma_semaphore, #tpu.memory_space<semaphore_mem>>) src(%arg6 : memref<512x128xf32, #tpu.memory_space<vmem>>) dst(%dma_wait3A_26 : memref<512x128xf32, #tpu.memory_space<hbm>>)
        tpu.yield
      }) : () -> ()
    }
    %scan3A_6 = arith.constant 2 : i32
    return
  }
}

module attributes {stable_mosaic.version = 14 : i64} {
  func.func @body(%arg0: i32, %arg1: memref<2048x64xf32, #tpu.memory_space<vmem>>, %arg2: memref<1024x64xf32, #tpu.memory_space<vmem>>, %arg3: memref<2048x1024xf32, #tpu.memory_space<vmem>>, %arg4: memref<16x128xi32, #tpu.memory_space<vmem>>) attributes {dimension_semantics = [#tpu.dimension_semantics<arbitrary>], iteration_bounds = array<i64: 16>, scalar_prefetch = 0 : i64, scratch_operands = 0 : i64, tpu.core_type = #tpu.core_type<tc>, window_params = [{transform_indices = @transform_0, window_bounds = array<i64: 2048, 64>}, {pipeline_mode = #tpu.pipeline_mode<synchronous>, transform_indices = @transform_1, window_bounds = array<i64: 1024, 64>}, {transform_indices = @transform_2, window_bounds = array<i64: 2048, 1024>}, {transform_indices = @transform_3, window_bounds = array<i64: 16, 128>}]} {
    %get3A = arith.constant 0 : index
    %get3A_0 = arith.constant 0 : index
    %get3A_1 = vector.load %arg1[%get3A, %get3A_0] : memref<2048x64xf32, #tpu.memory_space<vmem>>, vector<2048x64xf32>
    %get3A_2 = arith.constant 0 : index
    %get3A_3 = arith.constant 0 : index
    %get3A_4 = vector.load %arg2[%get3A_2, %get3A_3] : memref<1024x64xf32, #tpu.memory_space<vmem>>, vector<1024x64xf32>
    %mul3A = arith.mulf %get3A_1, %get3A_1 : vector<2048x64xf32>
    %reduce_sum3A = arith.constant dense<0.000000e+00> : vector<2048xf32>
    %reduce_sum3A_5 = vector.multi_reduction <add>, %mul3A, %reduce_sum3A [1] : vector<2048x64xf32> to vector<2048xf32>
    %broadcast_in_dim3A = vector.shape_cast %reduce_sum3A_5 : vector<2048xf32> to vector<2048x1xf32>
    %mul3A_6 = arith.mulf %get3A_4, %get3A_4 : vector<1024x64xf32>
    %reduce_sum3A_7 = arith.constant dense<0.000000e+00> : vector<1024xf32>
    %reduce_sum3A_8 = vector.multi_reduction <add>, %mul3A_6, %reduce_sum3A_7 [1] : vector<1024x64xf32> to vector<1024xf32>
    %add3A = arith.addf %get3A_1, %get3A_1 : vector<2048x64xf32>
    %dot_general3A = arith.constant dense<0.000000e+00> : vector<2048x1024xf32>
    %dot_general3A_9 = tpu.matmul %add3A, %get3A_4, %dot_general3A {dimension_numbers = #tpu.dot_dimension_numbers<[1], [1], [0], [0], [0, 0, 1, 0], [], []>, transpose_lhs_hint = false} : vector<2048x64xf32>, vector<1024x64xf32>, vector<2048x1024xf32> -> vector<2048x1024xf32>
    %sub3A = vector.broadcast %broadcast_in_dim3A : vector<2048x1xf32> to vector<2048x1024xf32>
    %sub3A_10 = arith.subf %dot_general3A_9, %sub3A : vector<2048x1024xf32>
    %broadcast_in_dim3A_11 = vector.shape_cast %reduce_sum3A_8 : vector<1024xf32> to vector<1x1024xf32>
    %sub3A_12 = vector.broadcast %broadcast_in_dim3A_11 : vector<1x1024xf32> to vector<2048x1024xf32>
    %sub3A_13 = arith.subf %sub3A_10, %sub3A_12 : vector<2048x1024xf32>
    %swap3A = arith.constant 0 : index
    %swap3A_14 = arith.constant 0 : index
    %swap3A_15 = vector.load %arg3[%swap3A, %swap3A_14] : memref<2048x1024xf32, #tpu.memory_space<vmem>>, vector<2048x1024xf32>
    tpu.vector_store %arg3[%swap3A, %swap3A_14], %sub3A_13 {strides = array<i32>} : memref<2048x1024xf32, #tpu.memory_space<vmem>>, vector<2048x1024xf32>,
    %reduce_max3A = arith.constant dense<0xFF800000> : vector<2048xf32>
    %reduce_max3A_16 = vector.multi_reduction <maximumf>, %sub3A_13, %reduce_max3A [1] : vector<2048x1024xf32> to vector<2048xf32>
    %broadcast_in_dim3A_17 = vector.shape_cast %reduce_max3A_16 : vector<2048xf32> to vector<2048x1xf32>
    %iota3A = tpu.iota {dimensions = array<i32: 1>} : vector<2048x1024xi32>
    %convert_element_type3A = arith.sitofp %iota3A : vector<2048x1024xi32> to vector<2048x1024xf32>
    %eq3A = vector.broadcast %broadcast_in_dim3A_17 : vector<2048x1xf32> to vector<2048x1024xf32>
    %eq3A_18 = arith.cmpf oeq, %sub3A_13, %eq3A : vector<2048x1024xf32>
    %jit3A = arith.constant 1.024000e+03 : f32
    %broadcast_in_dim3A_19 = vector.broadcast %jit3A : f32 to vector<2048x1024xf32>
    %select_n3A = arith.select %eq3A_18, %convert_element_type3A, %broadcast_in_dim3A_19 : vector<2048x1024xi1>, vector<2048x1024xf32>
    %reduce_min3A = arith.constant dense<0x7F800000> : vector<2048xf32>
    %reduce_min3A_20 = vector.multi_reduction <minimumf>, %select_n3A, %reduce_min3A [1] : vector<2048x1024xf32> to vector<2048xf32>
    %convert_element_type3A_21 = arith.fptosi %reduce_min3A_20 : vector<2048xf32> to vector<2048xi32>
    %reshape3A = vector.shape_cast %convert_element_type3A_21 : vector<2048xi32> to vector<16x128xi32>
    %swap3A_22 = arith.constant 0 : index
    %swap3A_23 = arith.constant 0 : index
    %swap3A_24 = vector.load %arg4[%swap3A_22, %swap3A_23] : memref<16x128xi32, #tpu.memory_space<vmem>>, vector<16x128xi32>
    tpu.vector_store %arg4[%swap3A_22, %swap3A_23], %reshape3A {strides = array<i32>} : memref<16x128xi32, #tpu.memory_space<vmem>>, vector<16x128xi32>,
    return
  }
  func.func @transform_0(%arg0: i32) -> (i32, i32) {
    %add3A = arith.constant 0 : i32
    %add3A_0 = arith.addi %arg0, %add3A : i32
    %c0_i32 = arith.constant 0 : i32
    %c0_i32_1 = arith.constant 0 : i32
    return %add3A_0, %c0_i32 : i32, i32
  }
  func.func @transform_1(%arg0: i32) -> (i32, i32) {
    %c0_i32 = arith.constant 0 : i32
    %c0_i32_0 = arith.constant 0 : i32
    %c0_i32_1 = arith.constant 0 : i32
    return %c0_i32, %c0_i32_0 : i32, i32
  }
  func.func @transform_2(%arg0: i32) -> (i32, i32) {
    %add3A = arith.constant 0 : i32
    %add3A_0 = arith.addi %arg0, %add3A : i32
    %c0_i32 = arith.constant 0 : i32
    %c0_i32_1 = arith.constant 0 : i32
    return %add3A_0, %c0_i32 : i32, i32
  }
  func.func @transform_3(%arg0: i32) -> (i32, i32) {
    %add3A = arith.constant 0 : i32
    %add3A_0 = arith.addi %arg0, %add3A : i32
    %c0_i32 = arith.constant 0 : i32
    %c0_i32_1 = arith.constant 0 : i32
    return %add3A_0, %c0_i32 : i32, i32
  }
}

</mosaic_0001>

<sc_bundles>
// kernel: kernel.4.cloned.1.call-start
scs
__scs_entry_jumppad:
0x0: {  	(pc) =	sbr.rel $0x88, $3  }
0x1: {  	(tag) =	ssettag $0x0;
	lr =	simm.s32 $0x1  }
0x2: {  	[smem:$0x3F9F] =	sst lr;
	_ =	strace $0xD0000000  }
0x3: {  	_ = 	snop  }
0x4: {  	_ = 	snop  }
0x5: {  	_ = 	snop  }
0x6: {  	_ = 	snop  }
0x7: {  	_ = 	snop  }
__scs_overlays_trampoline_lowered:
0x8: {  	[smem:$0x3FAE] =	sst s0  }
0x9: {  	[smem:$0x3FAF] =	sst s1  }
0xa: {  	[smem:$0x3FB0] =	sst s2  }
0xb: {  	[smem:$0x3FB1] =	sst s3  }
0xc: {  	[smem:$0x3FB2] =	sst s4  }
0xd: {  	[smem:$0x3FB3] =	sst s5  }
0xe: {  	[smem:$0x3FB4] =	sst s6  }
0xf: {  	[smem:$0x3FB5] =	sst s7  }
0x10: {  	[smem:$0x3FB6] =	sst s8  }
0x11: {  	[smem:$0x3FB7] =	sst s9;
	s0 =	simm.s32 @!p0 $0x0  }
0x12: {  	s1 =	sld [smem:$0x3F9D];
	s0 =	simm.s32 @p0 $0x1  }
0x13: {  	[smem:$0x3FB8] =	sst s0;
	s0 =	simm.s32 @!p1 $0x0  }
0x14: {  	s2 =	sld [smem:$0x3F9C];
	s0 =	simm.s32 @p1 $0x1  }
0x15: {  	[smem:$0x3FB9] =	sst s0;
	s0 =	simm.s32 @!p2 $0x0  }
0x16: {  	s3 =	sld [smem:$0x3FDB];
	s0 =	simm.s32 @p2 $0x1  }
0x17: {  	s4 =	simm.s32 $0x1BF5;
	[smem:$0x3FBB] =	sst s0  }
0x18: {  	s0 =	sld [smem:$0x3F9E];
	_ =	swait.ge [sflag:s4], $0x0  }
0x19: {  	s7 =	sld [smem:$0x3F9F]  }
0x1a: {  	s8 =	sadd.s32 $0xFFFFE003, lr  }
0x1b: {  	s9 =	sadd.s32 $0xFFFFFEF7, lr;
	s5 =	simm.s32 $0xFFFFFFFF;
	p2 =	slt.u32 s8, $0xFFFFF086  }
0x1c: {  	p1 =	slt.u32 s9, $0xF7A;
	s5 =	simm.s32 @!p2 $0x0  }
0x1d: {  	s5 =	simm.s32 @p1 $0x1;
	p0 =	seq.s32 s7, s2  }
0x1e: {  	s7 =	smul.u32 @!p0 $0xF7A, s2;
	p2 =	seq.s32 @!p0 s5, $0x0  }
0x1f: {  	s9 =	smul.u32 $0xF7A, s1;
	s8 =	simm.s32 @!p0 $0x1BF5;
	p2 =	por !p2, p0  }
0x20: {  	[sflag:s8] =	ssyncset.s32 @!p0 $0xFFFFF086;
	s6 =	sadd.s32 @!p0 s3, s7;
	s7 =	simm.s32 @!p0 $0x108  }
0x21: {  	s3 =	sadd.s32 s3, s9;
	s6 =	sadd.s32 @!p0 $0x88, s6;
	s7 =	simm.s32 @p2 $0x1082  }
0x22: {  	[simem:s7], [sflag:s8] =	dma.local @!p0 [hbm:s6], $0xF7A  }
0x23: {  	s9 =	sor.u32 $0xD0000000, s2;
	s6 =	simm.s32 $0x108;
	_ =	swait.ge @!p0 [sflag:s8], $0x0  }
0x24: {  	s3 =	sadd.s32 $0x88, s3;
	s6 =	simm.s32 @!p1 $0x1082;
	[sflag:s4] =	ssyncset.s32 $0xFFFFF086  }
0x25: {  	[simem:s6], [sflag:s4] =	dma.local [hbm:s3], $0xF7A  }
0x26: {  	[smem:$0x3F9F] =	sst s1;
	(tag) =	ssettag s2;
	_ =	strace s9  }
0x27: {  	s1 =	sld [smem:$0x3FAF]  }
0x28: {  	s2 =	sld [smem:$0x3FB0]  }
0x29: {  	s4 =	sld [smem:$0x3FB2]  }
0x2a: {  	p0 =	seq.s32 s5, $0x0;
	s5 =	sld [smem:$0x3FB3]  }
0x2b: {  	s6 =	sld [smem:$0x3FB4]  }
0x2c: {  	s7 =	sld [smem:$0x3FB5]  }
0x2d: {  	s3 =	simm.s32 $0x108;
	s8 =	sld [smem:$0x3FB6]  }
0x2e: {  	s3 =	simm.s32 @!p0 $0x1082;
	s9 =	sld [smem:$0x3FB7]  }
0x2f: {  	lr =	sadd.s32 s0, s3;
	s0 =	sld [smem:$0x3FAE]  }
0x30: {  	s3 =	sld [smem:$0x3FB1]  }
0x31: {  	[smem:$0x3FBA] =	sst s10  }
0x32: {  	s10 =	sld [smem:$0x3FB8];
	_ =	sdelay $0x3  }
0x33: {  	p0 =	seq.s32 s10, $0x1;
	s10 =	sld [smem:$0x3FBA];
	_ =	sdelay $0x3  }
0x34: {  	[smem:$0x3FBA] =	sst s10  }
0x35: {  	s10 =	sld [smem:$0x3FB9];
	_ =	sdelay $0x3  }
0x36: {  	p1 =	seq.s32 s10, $0x1;
	s10 =	sld [smem:$0x3FBA];
	_ =	sdelay $0x3  }
0x37: {  	[smem:$0x3FBA] =	sst s10  }
0x38: {  	s10 =	sld [smem:$0x3FBB]  }
0x39: {  	_ = 	snop;
	(pc) =	sbr.ind lr, $3  }
0x3a: {  	_ = 	snop  }
0x3b: {  	_ = 	snop  }
0x3c: {  	p2 =	seq.s32 s10, $0x1;
	s10 =	sld [smem:$0x3FBA]  }
0x3d: {  	_ =	shalt  }
0x3e: {  	_ =	shalt  }
0x3f: {  	_ =	shalt  }
0x40: {  	_ =	shalt  }
0x41: {  	_ =	shalt  }
0x42: {  	_ =	shalt  }
0x43: {  	_ =	shalt  }
0x44: {  	_ =	shalt  }
0x45: {  	_ =	shalt  }
0x46: {  	_ =	shalt  }
0x47: {  	_ =	shalt  }
0x48: {  	_ =	shalt  }
0x49: {  	_ =	shalt  }
0x4a: {  	_ =	shalt  }
0x4b: {  	_ =	shalt  }
0x4c: {  	_ =	shalt  }
0x4d: {  	_ =	shalt  }
0x4e: {  	_ =	shalt  }
0x4f: {  	_ =	shalt  }
0x50: {  	_ =	shalt  }
0x51: {  	_ =	shalt  }
0x52: {  	_ =	shalt  }
0x53: {  	_ =	shalt  }
0x54: {  	_ =	shalt  }
0x55: {  	_ =	shalt  }
0x56: {  	_ =	shalt  }
0x57: {  	_ =	shalt  }
0x58: {  	_ =	shalt  }
0x59: {  	_ =	shalt  }
0x5a: {  	_ =	shalt  }
0x5b: {  	_ =	shalt  }
0x5c: {  	_ =	shalt  }
0x5d: {  	_ =	shalt  }
0x5e: {  	_ =	shalt  }
0x5f: {  	_ =	shalt  }
0x60: {  	_ =	shalt  }
0x61: {  	_ =	shalt  }
0x62: {  	_ =	shalt  }
0x63: {  	_ =	shalt  }
0x64: {  	_ =	shalt  }
0x65: {  	_ =	shalt  }
0x66: {  	_ =	shalt  }
0x67: {  	_ =	shalt  }
0x68: {  	_ =	shalt  }
0x69: {  	_ =	shalt  }
0x6a: {  	_ =	shalt  }
0x6b: {  	_ =	shalt  }
0x6c: {  	_ =	shalt  }
0x6d: {  	_ =	shalt  }
0x6e: {  	_ =	shalt  }
0x6f: {  	_ =	shalt  }
0x70: {  	_ =	shalt  }
0x71: {  	_ =	shalt  }
0x72: {  	_ =	shalt  }
0x73: {  	_ =	shalt  }
0x74: {  	_ =	shalt  }
0x75: {  	_ =	shalt  }
0x76: {  	_ =	shalt  }
0x77: {  	_ =	shalt  }
0x78: {  	_ =	shalt  }
0x79: {  	_ =	shalt  }
0x7a: {  	_ =	shalt  }
0x7b: {  	_ =	shalt  }
0x7c: {  	_ =	shalt  }
0x7d: {  	_ =	shalt  }
0x7e: {  	_ =	shalt  }
0x7f: {  	_ =	shalt  }
0x80: {  	_ =	shalt  }
0x81: {  	_ =	shalt  }
0x82: {  	_ =	shalt  }
0x83: {  	_ =	shalt  }
0x84: {  	_ =	shalt  }
0x85: {  	_ =	shalt  }
0x86: {  	_ =	shalt  }
0x87: {  	_ =	shalt  }
.Lfunc_end0:
.L_simem_size_0:
called_computation_lowered:
.L_overlay_start_0:
0x88: {  	s2 =	sld [smem:$0x3FD9]  }
0x89: {  	s3 =	sld [smem:$0x3FFE];
	_ =	sdelay $0x1  }
0x8a: {  	s1 =	srdreg.scid  }
0x8b: {  	s0 =	sand.u32 $0x1, s1  }
0x8c: {  	s14 =	sshll.u32 s0, $0xA;
	s2 =	sadd.s32 s3, s2  }
0x8d: {  	s2 =	sadd.s32 s2, s14  }
0x8e: {  	[smem:$0x3FC6] =	sst s2  }
0x8f: {  	_ = 	snop  }
0x90: {  	s2 =	sld [smem:$0x3FD0];
	_ =	sdelay $0x2  }
0x91: {  	s15 =	simm.s32 $0xA;
	s4 =	simm.s32 $0x10  }
0x92: {  	[smem:s4], [sflag:s15] =	dma.local [hbm:s2], $0x1  }
0x93: {  	_ =	swait.eq [sflag:s15], $0x1  }
0x94: {  	[sflag:s15] =	ssyncset.done $0x0  }
0x95: {  	[sflag:s15] =	ssyncadd.s32 $0xFFFFFFFF  }
0x96: {  	s16 =	sld [smem:$0x10];
	(tm) =	ssettm $0x1  }
0x97: {  	s17 =	sld [smem:$0x3FFB];
	_ =	sdelay $0x3  }
0x98: {  	_ =	strace s17  }
0x99: {  	s3 =	sld [smem:$0x3FFC];
	_ =	sdelay $0x3  }
0x9a: {  	_ =	strace s3  }
0x9b: {  	s3 =	sld [smem:$0x3FFD];
	_ =	sdelay $0x3  }
0x9c: {  	_ =	strace s3  }
0x9d: {  	_ =	strace $0x8FFFFFFF  }
0x9e: {  	s18 =	sld [smem:$0x3FDB];
	_ =	sdelay $0x1  }
0x9f: {  	s19 =	simm.s32 $_scs_section_size  }
0xa0: {  	s5 =	simm.s32 $_size__tile_overlayer_lowered;
	s6 =	simm.s32 $_tile_overlayer_lowered  }
0xa1: {  	s22 =	simm.s32 $0x1BFF;
	s21 =	sshll.u32 s6, $0x1;
	s3 =	sadd.s32 s19, s18  }
0xa2: {  	s7 =	simm.s32 $0x0;
	s20 =	sshll.u32 s5, $0x1;
	s5 =	sadd.s32 s21, s3  }
0xa3: {  	[timem:s7], [sflag:s22] =	dma.local [hbm:s5], s20  }
0xa4: {  	_ =	swait.ge [sflag:s22], s20  }
0xa5: {  	s4 =	ssub.s32 $0x0, s20;
	[sflag:s22] =	ssyncset.done $0x0  }
0xa6: {  	[sflag:s22] =	ssyncadd.s32 s4;
	_ =	sdelay $0x1  }
0xa7: {  	s23 =	simm.s32 $0x1B8B  }
0xa8: {  	_ =	swait.ge [sflag:s23], $0x1  }
0xa9: {  	[sflag:s23] =	ssyncset.done $0x0  }
0xaa: {  	s25 =	simm.s32 $0x1B8E;
	s24 =	sld [smem:$0x3FFE];
	[sflag:s23] =	ssyncadd.s32 $0xFFFFFFFF  }
0xab: {  	s26 =	simm.s32 $execute0_lowered;
	[smem:$0x3FD2] =	sst s25  }
0xac: {  	s5 =	sshll.u32 s26, $0x1;
	_ =	strace $0x80000046;
	[dreg:$0x1] =	wrdreg $0xFFFFFFFF  }
0xad: {  	s28 =	simm.s32 $_size_execute0_lowered;
	s3 =	sadd.s32 s3, s5;
	[dreg:$0x0] =	wrdreg $0x0  }
0xae: {  	s5 =	sshll.u32 s28, $0x1;
	[dreg:$0x2] =	wrdreg s3  }
0xaf: {  	[dreg:$0x3] =	wrdreg s5  }
0xb0: {  	[dreg:$0x4] =	wrdreg $0xC0  }
0xb1: {  	_ =	task [dreg:s7], $0x5FFFF  }
0xb2: {  	[dreg:$0x1] =	wrdreg $0xFFFFFFFF  }
0xb3: {  	[dreg:$0x0] =	wrdreg $0x60  }
0xb4: {  	[dreg:$0x2] =	wrdreg s16  }
0xb5: {  	[dreg:$0x3] =	wrdreg s24  }
0xb6: {  	[dreg:$0x4] =	wrdreg $0x9  }
0xb7: {  	_ =	task.clear_ibuf [dreg:s7], $0x5FFFF;
	_ =	strace $0x90000046  }
0xb8: {  	s29 =	simm.s32 $0x9;
	_ =	strace $0x80000048  }
0xb9: {  	_ =	swait.ge [sflag:s29], $0x1  }
0xba: {  	[sflag:s29] =	ssyncadd.s32 $0xFFFFFFFF  }
0xbb: {  	_ =	strace $0x90000048  }
0xbc: {  	_ =	sfence  }
0xbd: {  	s30 =	sld [smem:$0x0];
	_ =	sdelay $0x2  }
0xbe: {  	s31 =	sshll.u32 s1, $0xD;
	s1 =	sshrl.u32 s1, $0x2  }
0xbf: {  	s3 =	sand.u32 $0x4000, s31;
	s1 =	sadd.s32 s1, s30  }
0xc0: {  	s0 =	sor.u32 s3, s0;
	s1 =	sshll.u32 s1, $0x11  }
0xc1: {  	s0 =	sor.u32 s1, s0  }
0xc2: {  	s0 =	sadd.s32 $0x8F2B, s0  }
0xc3: {  	[sflag:s0] =	ssyncadd.remote.s32 $0x1  }
0xc4: {  	_ =	sfence.sel $0xFFFF  }
0xc5: {  	[dreg:$0x0] =	wrdreg $0xFFFFFFFF;
	(pc) =	sbr.abs _section_cstart, $3  }
0xc6: {  	[dreg:$0x1] =	wrdreg $0xFFFFFFFF  }
0xc7: {  	_ =	task.clear_ibuf [dreg:s7], $0x2FFFF;
	_ =	strace $0x9FFFFFFF  }
0xc8: {  	(tm) =	ssettm $0x7FFFFFFF  }
0xc9: {  	_ =	shalt  }
tec
execute0_lowered:
.L_overlay_start_1:
0x0: {  	(tag) =	ssettag $0x1  }
0x1: {  	s1 =	srdreg.scid  }
0x2: {  	s0 =	stileid.u32;
	s10 =	sand.u32 $0x1, s1  }
0x3: {  	s2 =	rddreg [dreg:$0x0];
	s31 =	sshll.u32 s0, $0xB;
	s3 =	sshll.u32 s10, $0xA  }
0x4: {  	s9 =	rddreg [dreg:$0x1];
	s11 =	sor.u32 s3, s31  }
0x5: {  	s1 =	rddreg [dreg:$0x2];
	s3 =	simm.s32 $0x0;
	s4 =	sshrl.u32 s11, $0x3  }
0x6: {  	[smem:$0x7FF] =	sst s3;
	s4 =	sadd.s32 s4, s9  }
0x7: {  	_ =	strace $0x80000047;
	s5 =	sadd.s32 $0xA00, s4;
	s4 =	simm.s32 $0x2  }
0x8: {  	[tilespmem:s3], [sflag:$0x2] =	stream.linear.gather [hbm4b:s5+s3], $0x400, $0x38;
	[tilespmem:$0x10400] =	vst v63  }
0x9: {  	_ =	swait.ge [sflag:s4], $0x400  }
0xa: {  	s6 =	simm.s32 $0x200;
	[sflag:s4] =	ssyncset.done $0x0  }
0xb: {  	s7 =	simm.s32 $0x400;
	s8 =	simm.s32 $0x1;
	[sflag:s4] =	ssyncadd.s32 $0xFFFFFC00  }
0xc: {  	[tilespmem:s7], [sflag:$0x1] =	stream.indirect.gather [hbm4b:s2+s6], $0x80, s3, s6, $0xb8;
	[tilespmem:$0x10400] =	vst v63  }
0xd: {  	s11 =	sshll.u32 s11, $0x4;
	_ =	swait.ge [sflag:s8], $0x10000  }
0xe: {  	s11 =	sadd.s32 s11, s9;
	[sflag:s8] =	ssyncset.done $0x0  }
0xf: {  	s10 =	ssub.s32 $0x2, s10;
	s9 =	sadd.s32 $0x1A00, s11;
	[sflag:s8] =	ssyncadd.s32 $0xFFFF0000  }
0x10: {  	[hbm4b:s9+s3] =	stream.linear.scatter [tilespmem:s7], [sflag:$0x2], $0x10000, $0x38;
	[tilespmem:$0x10400] =	vst v63  }
0x11: {  	s12 =	sshrl.u32 s10, $0x1;
	_ =	swait.ge [sflag:s4], $0x10000  }
0x12: {  	s10 =	ssub.s32 s10, s12;
	[sflag:s4] =	ssyncset.done $0x0  }
0x13: {  	s12 =	smax.u32 s10, $0x1;
	[sflag:s4] =	ssyncadd.s32 $0xFFFF0000  }
0x14: {  	[tilespmem:s7], [sflag:$0x1] =	stream.indirect.gather [hbm4b:s2+s6], $0x80, s6, s6, $0xb8;
	[tilespmem:$0x10400] =	vst v63  }
0x15: {  	p0 =	sne.s32 s12, $0x1;
	_ =	swait.ge [sflag:s8], $0x10000  }
.Ltmp0:
0x16: {  	[sflag:s8] =	ssyncset.done $0x0;
	(pc) =	sbr.rel @!p0 .LBB2_2-.Ltmp0, $4  }
0x17: {  	s10 =	sadd.s32 $0x3A00, s11;
	[sflag:s8] =	ssyncadd.s32 $0xFFFF0000  }
0x18: {  	[hbm4b:s10+s3] =	stream.linear.scatter [tilespmem:s7], [sflag:$0x2], $0x10000, $0x38;
	[tilespmem:$0x10400] =	vst v63  }
0x19: {  	_ =	swait.ge [sflag:s4], $0x10000  }
0x1a: {  	s11 =	sadd.s32 $0xFFFFFFFF, s12;
	[sflag:s4] =	ssyncset.done $0x0  }
.LBB2_1:
0x1b: {  	p0 =	sne.s32 s11, $0x1;
	s11 =	sadd.s32 $0xFFFFFFFF, s11;
	[sflag:s4] =	ssyncadd.s32 $0xFFFF0000  }
0x1c: {  	[tilespmem:s3], [sflag:$0x2] =	stream.linear.gather [hbm4b:s5+s3], $0x400, $0x38;
	[tilespmem:$0x10400] =	vst v63  }
0x1d: {  	_ =	swait.ge [sflag:s4], $0x400  }
0x1e: {  	[sflag:s4] =	ssyncset.done $0x0  }
0x1f: {  	[sflag:s4] =	ssyncadd.s32 $0xFFFFFC00  }
0x20: {  	[tilespmem:s7], [sflag:$0x1] =	stream.indirect.gather [hbm4b:s2+s6], $0x80, s3, s6, $0xb8;
	[tilespmem:$0x10400] =	vst v63  }
0x21: {  	_ =	swait.ge [sflag:s8], $0x10000  }
0x22: {  	[sflag:s8] =	ssyncset.done $0x0  }
0x23: {  	[sflag:s8] =	ssyncadd.s32 $0xFFFF0000  }
0x24: {  	[hbm4b:s9+s3] =	stream.linear.scatter [tilespmem:s7], [sflag:$0x2], $0x10000, $0x38;
	[tilespmem:$0x10400] =	vst v63  }
0x25: {  	_ =	swait.ge [sflag:s4], $0x10000  }
0x26: {  	[sflag:s4] =	ssyncset.done $0x0  }
0x27: {  	[sflag:s4] =	ssyncadd.s32 $0xFFFF0000  }
0x28: {  	[tilespmem:s7], [sflag:$0x1] =	stream.indirect.gather [hbm4b:s2+s6], $0x80, s6, s6, $0xb8;
	[tilespmem:$0x10400] =	vst v63  }
0x29: {  	_ =	swait.ge [sflag:s8], $0x10000  }
.Ltmp1:
0x2a: {  	[sflag:s8] =	ssyncset.done $0x0;
	(pc) =	sbr.rel @p0 .LBB2_1-.Ltmp1, $4  }
0x2b: {  	[sflag:s8] =	ssyncadd.s32 $0xFFFF0000  }
0x2c: {  	[hbm4b:s10+s3] =	stream.linear.scatter [tilespmem:s7], [sflag:$0x2], $0x10000, $0x38;
	[tilespmem:$0x10400] =	vst v63  }
0x2d: {  	_ =	swait.ge [sflag:s4], $0x10000  }
0x2e: {  	[sflag:s4] =	ssyncset.done $0x0  }
.LBB2_2:
0x2f: {  	[sflag:s4] =	ssyncadd.s32 $0xFFFF0000  }
0x30: {  	_ =	sfence.sel $0x180000  }
0x31: {  	[bflag:$0x0] =	sbarrier.arrive $0xFFFF  }
0x32: {  	p0 =	sne.s32 s0, $0x0;
	_ =	strace $0x90000047  }
0x33: {  	s0 =	sadd.s32 @!p0 $0x100000, s1;
	[bflag:$0x2] =	sbarrier.arrive $0xFFFF  }
0x34: {  	[sflag:s0] =	ssyncadd.tile.s32 @!p0 $0x1;
	_ =	shalt  }
.Lfunc_end2:
_tile_overlayer_lowered:
.L_overlay_start_2:
0x35: {  	(tag) =	ssettag $0x2  }
0x36: {  	s0 =	rddreg [dreg:$0x0];
	s2 =	stileid.u32  }
0x37: {  	s1 =	rddreg [dreg:$0x1];
	p0 =	sne.s32 s2, $0x0  }
0x38: {  	s3 =	rddreg [dreg:$0x2];
	[bflag:$0x3] =	sbarrier.arrive $0xFFFF;
	s2 =	simm.s32 @!p0 $0x1C02  }
0x39: {  	[timem:s3], [sflag:s2] =	dma.local @!p0 [hbm:s0], s1  }
0x3a: {  	s0 =	simm.s32 @!p0 $0x2  }
0x3b: {  	_ =	swait.ge @!p0 [sflag:s0], s1  }
0x3c: {  	s1 =	ssub.s32 @!p0 $0x0, s1;
	[sflag:s0] =	ssyncset.done @!p0 $0x0  }
0x3d: {  	[sflag:s0] =	ssyncadd.s32 @!p0 s1  }
0x3e: {  	[bflag:$0x3] =	sbarrier.arrive $0xFFFF  }
0x3f: {  	_ =	shalt  }

</sc_bundles>
